<compile_context>
chip_gen: v7x
topology: tpu7x:2x2x1
jax: 0.10.2.dev20260603
libtpu: 0.0.44.dev20260713+nightly
codegen_flags: <defaults>
</compile_context>

<pallas_src>
import functools

import jax
import jax.numpy as jnp
from jax import lax
from jax.experimental import pallas as pl
from jax.experimental.pallas import tpu as pltpu
from jax.experimental.pallas import tpu_sc as plsc

_NC = 2
_NS = 16
_NW = _NC * _NS
_K = 32
_NBUF = 3
_SC_BATCHES = 1


def _tc_add(x_ref, e_ref, o_ref):
    o_ref[...] = x_ref[...] + e_ref[...]


def _sc_body(row0, seq_len, dim, in_hbm, emb_hbm, out_hbm,
             idx_v, bufs, asems, wsems):
    wid = lax.axis_index("s") * _NC + lax.axis_index("c")
    sc_rows = _SC_BATCHES * seq_len
    rows_per_w = sc_rows // _NW
    base = wid * rows_per_w
    ebase = lax.rem(base, seq_len)
    nchunks = rows_per_w // _K

    adescs = [None] * nchunks
    wdescs = [None] * nchunks
    for c in range(nchunks):
        s = c % _NBUF
        if c >= _NBUF:
            wdescs[c - _NBUF].wait()
        for j in range(_K // 16):
            idx_v[s][pl.ds(j * 16, 16)] = (row0 + base + c * _K + j * 16) + lax.iota(
                jnp.int32, 16)
        pltpu.sync_copy(emb_hbm.at[pl.ds(ebase + c * _K, _K)], bufs[s])
        adescs[c] = pltpu.async_copy(in_hbm.at[idx_v[s]], bufs[s], asems[s],
                                     add=True)
        if c >= 1:
            p = c - 1
            adescs[p].wait()
            wdescs[p] = pltpu.async_copy(
                bufs[p % _NBUF], out_hbm.at[pl.ds(base + p * _K, _K)],
                wsems[p % _NBUF])
    last = nchunks - 1
    adescs[last].wait()
    wdescs[last] = pltpu.async_copy(
        bufs[last % _NBUF], out_hbm.at[pl.ds(base + last * _K, _K)],
        wsems[last % _NBUF])
    for c in range(max(0, nchunks - _NBUF), nchunks):
        wdescs[c].wait()


def kernel(inputs, embeddings):
    batch, seq_len, dim = inputs.shape
    rows = batch * seq_len
    in_flat = inputs.reshape(rows, dim)
    pos = embeddings[:seq_len]
    tc_batches = batch - _SC_BATCHES
    row0 = tc_batches * seq_len

    tc_out = pl.pallas_call(
        _tc_add,
        grid=(tc_batches,),
        in_specs=[
            pl.BlockSpec((seq_len, dim), lambda j: (j, 0)),
            pl.BlockSpec((seq_len, dim), lambda j: (0, 0)),
        ],
        out_specs=pl.BlockSpec((seq_len, dim), lambda j: (j, 0)),
        out_shape=jax.ShapeDtypeStruct((row0, dim), inputs.dtype),
        compiler_params=pltpu.CompilerParams(
            dimension_semantics=("arbitrary",),
        ),
    )(in_flat, pos)

    mesh = plsc.VectorSubcoreMesh(core_axis_name="c", subcore_axis_name="s")
    sc_k = pl.kernel(
        functools.partial(_sc_body, row0, seq_len, dim),
        out_type=jax.ShapeDtypeStruct((_SC_BATCHES * seq_len, dim), inputs.dtype),
        mesh=mesh,
        scratch_types=[
            [pltpu.VMEM((_K,), jnp.int32) for _ in range(_NBUF)],
            [pltpu.VMEM((_K, dim), jnp.float32) for _ in range(_NBUF)],
            [pltpu.SemaphoreType.DMA for _ in range(_NBUF)],
            [pltpu.SemaphoreType.DMA for _ in range(_NBUF)],
        ],
    )
    sc_out = sc_k(in_flat, pos)
    return jnp.concatenate([tc_out, sc_out], axis=0).reshape(batch, seq_len, dim)

# --- scband reference (transcript-rebuilt; emitter-appended) ---
"""Pipeline reference for scband-position-embedding-57166014709888 (READ-ONLY COPY).

The authoritative reference and input builder live on the scoring server;
editing this copy changes nothing except your own understanding.
"""

import jax, jax.numpy as jnp
import numpy as np

INPUT_DIM = 2048
OUTPUT_DIM = 1024
MERGE_MODE = 'add'

def setup_inputs(seed: int = 0) -> dict:
    key = jax.random.key(seed)
    k1, k2 = jax.random.split(key)
    inputs = jax.random.normal(k1, (4, 2048, 1024), dtype=jnp.float32)
    # embeddings_initializer='zeros' per module config
    embeddings = jnp.zeros((INPUT_DIM, OUTPUT_DIM), dtype=jnp.float32)
    return {"inputs": inputs, "embeddings": embeddings}

def reference(inputs, embeddings):
    seq_len = inputs.shape[1]
    pos_embeddings = embeddings[:seq_len]
    pos_embeddings = jnp.expand_dims(pos_embeddings, 0)
    if MERGE_MODE == 'add':
        return inputs + pos_embeddings
    else:
        batch_size = inputs.shape[0]
        pos_embeddings = jnp.tile(pos_embeddings, (batch_size, 1, 1))
        return jnp.concatenate([inputs, pos_embeddings], axis=-1)

if __name__ == "__main__":
    import jax
    _d = setup_inputs()
    print(jax.jit(kernel)(*tuple(_d.values())))

</pallas_src>

<mosaic_0001>
#map = affine_map<(d0, d1) -> (0, 0)>
module attributes {stable_mosaic.version = 14 : i64} {
  func.func @_sc_body(%arg0: i32, %arg1: i32, %arg2: memref<8192x1024xf32, #tpu.memory_space<hbm>>, %arg3: memref<2048x1024xf32, #tpu.memory_space<hbm>>, %arg4: memref<2048x1024xf32, #tpu.memory_space<hbm>>, %arg5: memref<32xi32, #tpu.memory_space<vmem>>, %arg6: memref<32xi32, #tpu.memory_space<vmem>>, %arg7: memref<32xi32, #tpu.memory_space<vmem>>, %arg8: memref<32x1024xf32, #tpu.memory_space<vmem>>, %arg9: memref<32x1024xf32, #tpu.memory_space<vmem>>, %arg10: memref<32x1024xf32, #tpu.memory_space<vmem>>, %arg11: memref<!tpu.dma_semaphore, #tpu.memory_space<semaphore_mem>>, %arg12: memref<!tpu.dma_semaphore, #tpu.memory_space<semaphore_mem>>, %arg13: memref<!tpu.dma_semaphore, #tpu.memory_space<semaphore_mem>>, %arg14: memref<!tpu.dma_semaphore, #tpu.memory_space<semaphore_mem>>, %arg15: memref<!tpu.dma_semaphore, #tpu.memory_space<semaphore_mem>>, %arg16: memref<!tpu.dma_semaphore, #tpu.memory_space<semaphore_mem>>) attributes {dimension_semantics = [#tpu.dimension_semantics<core_parallel>, #tpu.dimension_semantics<subcore_parallel>], iteration_bounds = array<i64: 2, 16>, scalar_prefetch = 0 : i64, scratch_operands = 12 : i64, tpu.core_type = #tpu.core_type<sc_vector_subcore>, window_params = [{transform_indices = #map}, {transform_indices = #map}, {transform_indices = #map}]} {
    %mul3A = arith.constant 2 : i32
    %mul3A_0 = arith.muli %arg1, %mul3A : i32
    %add3A = arith.addi %mul3A_0, %arg0 : i32
    %mul3A_1 = arith.constant 64 : i32
    %mul3A_2 = arith.muli %add3A, %mul3A_1 : i32
    %rem3A = arith.constant 2048 : i32
    %rem3A_3 = arith.remsi %mul3A_2, %rem3A : i32
    %add3A_4 = arith.constant 6144 : i32
    %add3A_5 = arith.addi %add3A_4, %mul3A_2 : i32
    %add3A_6 = arith.constant 0 : i32
    %add3A_7 = arith.addi %add3A_5, %add3A_6 : i32
    %add3A_8 = arith.constant 0 : i32
    %add3A_9 = arith.addi %add3A_7, %add3A_8 : i32
    %iota3A = tpu.iota {dimensions = array<i32: 0>} : vector<16xi32>
    %add3A_10 = vector.broadcast %add3A_9 : i32 to vector<16xi32>
    %add3A_11 = arith.addi %add3A_10, %iota3A : vector<16xi32>
    %swap3A = arith.constant 0 : index
    %swap3A_12 = tpu.vector_load %arg5[%swap3A] {strides = array<i32>} : memref<32xi32, #tpu.memory_space<vmem>>, vector<16xi32>,
    %swap3A_13 = vector.shape_cast %swap3A_12 : vector<16xi32> to vector<16xi32>
    %swap3A_14 = vector.shape_cast %add3A_11 : vector<16xi32> to vector<16xi32>
    tpu.vector_store %arg5[%swap3A], %swap3A_14 {strides = array<i32>} : memref<32xi32, #tpu.memory_space<vmem>>, vector<16xi32>,
    %add3A_15 = arith.constant 6144 : i32
    %add3A_16 = arith.addi %add3A_15, %mul3A_2 : i32
    %add3A_17 = arith.constant 0 : i32
    %add3A_18 = arith.addi %add3A_16, %add3A_17 : i32
    %add3A_19 = arith.constant 16 : i32
    %add3A_20 = arith.addi %add3A_18, %add3A_19 : i32
    %iota3A_21 = tpu.iota {dimensions = array<i32: 0>} : vector<16xi32>
    %add3A_22 = vector.broadcast %add3A_20 : i32 to vector<16xi32>
    %add3A_23 = arith.addi %add3A_22, %iota3A_21 : vector<16xi32>
    %swap3A_24 = arith.constant 16 : index
    %swap3A_25 = tpu.vector_load %arg5[%swap3A_24] {strides = array<i32>} : memref<32xi32, #tpu.memory_space<vmem>>, vector<16xi32>,
    %swap3A_26 = vector.shape_cast %swap3A_25 : vector<16xi32> to vector<16xi32>
    %swap3A_27 = vector.shape_cast %add3A_23 : vector<16xi32> to vector<16xi32>
    tpu.vector_store %arg5[%swap3A_24], %swap3A_27 {strides = array<i32>} : memref<32xi32, #tpu.memory_space<vmem>>, vector<16xi32>,
    %add3A_28 = arith.constant 0 : i32
    %add3A_29 = arith.addi %rem3A_3, %add3A_28 : i32
    "tpu.region"() ({
      %run_scoped3A = tpu.sem_alloc : memref<!tpu.dma_semaphore, #tpu.memory_space<semaphore_mem>>
      %dma_start3A_88 = arith.constant 0 : i32
      %dma_start3A_89 = tpu.memref_slice %arg3[%add3A_29, %dma_start3A_88] : memref<2048x1024xf32, #tpu.memory_space<hbm>> -> memref<32x1024xf32, #tpu.memory_space<hbm>>
      %dma_start3A_90 = arith.constant 0 : i32
      %dma_start3A_91 = tpu.memref_slice %arg3[%add3A_29, %dma_start3A_90] : memref<2048x1024xf32, #tpu.memory_space<hbm>> -> memref<32x1024xf32, #tpu.memory_space<hbm>>
      tpu.enqueue_dma source(%dma_start3A_91 : memref<32x1024xf32, #tpu.memory_space<hbm>>) target(%arg8 : memref<32x1024xf32, #tpu.memory_space<vmem>>) target_semaphore(%run_scoped3A : memref<!tpu.dma_semaphore, #tpu.memory_space<semaphore_mem>>)
      %dma_wait3A_92 = arith.constant 0 : i32
      %dma_wait3A_93 = tpu.memref_slice %arg3[%add3A_29, %dma_wait3A_92] : memref<2048x1024xf32, #tpu.memory_space<hbm>> -> memref<32x1024xf32, #tpu.memory_space<hbm>>
      %dma_wait3A_94 = arith.constant 0 : i32
      %dma_wait3A_95 = tpu.memref_slice %arg3[%add3A_29, %dma_wait3A_94] : memref<2048x1024xf32, #tpu.memory_space<hbm>> -> memref<32x1024xf32, #tpu.memory_space<hbm>>
      tpu.wait_dma2 semaphore(%run_scoped3A : memref<!tpu.dma_semaphore, #tpu.memory_space<semaphore_mem>>) src(%dma_wait3A_95 : memref<32x1024xf32, #tpu.memory_space<hbm>>) dst(%arg8 : memref<32x1024xf32, #tpu.memory_space<vmem>>)
      tpu.yield
    }) : () -> ()
    %dma_start3A = arith.constant 0 : i32
    %dma_start3A_30 = arith.constant 0 : i32
    %dma_start3A_31 = tpu.memref_slice %arg2[%dma_start3A, %dma_start3A_30] : memref<8192x1024xf32, #tpu.memory_space<hbm>> -> memref<8192x1024xf32, #tpu.memory_space<hbm>>
    tpu.enqueue_indirect_dma source(%dma_start3A_31 : memref<8192x1024xf32, #tpu.memory_space<hbm>>) target(%arg8 : memref<32x1024xf32, #tpu.memory_space<vmem>>) offsets(%arg5 : memref<32xi32, #tpu.memory_space<vmem>>) semaphore(%arg11 : memref<!tpu.dma_semaphore, #tpu.memory_space<semaphore_mem>>) {add = true}
    %add3A_32 = arith.constant 6144 : i32
    %add3A_33 = arith.addi %add3A_32, %mul3A_2 : i32
    %add3A_34 = arith.constant 32 : i32
    %add3A_35 = arith.addi %add3A_33, %add3A_34 : i32
    %add3A_36 = arith.constant 0 : i32
    %add3A_37 = arith.addi %add3A_35, %add3A_36 : i32
    %iota3A_38 = tpu.iota {dimensions = array<i32: 0>} : vector<16xi32>
    %add3A_39 = vector.broadcast %add3A_37 : i32 to vector<16xi32>
    %add3A_40 = arith.addi %add3A_39, %iota3A_38 : vector<16xi32>
    %swap3A_41 = arith.constant 0 : index
    %swap3A_42 = tpu.vector_load %arg6[%swap3A_41] {strides = array<i32>} : memref<32xi32, #tpu.memory_space<vmem>>, vector<16xi32>,
    %swap3A_43 = vector.shape_cast %swap3A_42 : vector<16xi32> to vector<16xi32>
    %swap3A_44 = vector.shape_cast %add3A_40 : vector<16xi32> to vector<16xi32>
    tpu.vector_store %arg6[%swap3A_41], %swap3A_44 {strides = array<i32>} : memref<32xi32, #tpu.memory_space<vmem>>, vector<16xi32>,
    %add3A_45 = arith.constant 6144 : i32
    %add3A_46 = arith.addi %add3A_45, %mul3A_2 : i32
    %add3A_47 = arith.constant 32 : i32
    %add3A_48 = arith.addi %add3A_46, %add3A_47 : i32
    %add3A_49 = arith.constant 16 : i32
    %add3A_50 = arith.addi %add3A_48, %add3A_49 : i32
    %iota3A_51 = tpu.iota {dimensions = array<i32: 0>} : vector<16xi32>
    %add3A_52 = vector.broadcast %add3A_50 : i32 to vector<16xi32>
    %add3A_53 = arith.addi %add3A_52, %iota3A_51 : vector<16xi32>
    %swap3A_54 = arith.constant 16 : index
    %swap3A_55 = tpu.vector_load %arg6[%swap3A_54] {strides = array<i32>} : memref<32xi32, #tpu.memory_space<vmem>>, vector<16xi32>,
    %swap3A_56 = vector.shape_cast %swap3A_55 : vector<16xi32> to vector<16xi32>
    %swap3A_57 = vector.shape_cast %add3A_53 : vector<16xi32> to vector<16xi32>
    tpu.vector_store %arg6[%swap3A_54], %swap3A_57 {strides = array<i32>} : memref<32xi32, #tpu.memory_space<vmem>>, vector<16xi32>,
    %add3A_58 = arith.constant 32 : i32
    %add3A_59 = arith.addi %rem3A_3, %add3A_58 : i32
    "tpu.region"() ({
      %run_scoped3A = tpu.sem_alloc : memref<!tpu.dma_semaphore, #tpu.memory_space<semaphore_mem>>
      %dma_start3A_88 = arith.constant 0 : i32
      %dma_start3A_89 = tpu.memref_slice %arg3[%add3A_59, %dma_start3A_88] : memref<2048x1024xf32, #tpu.memory_space<hbm>> -> memref<32x1024xf32, #tpu.memory_space<hbm>>
      %dma_start3A_90 = arith.constant 0 : i32
      %dma_start3A_91 = tpu.memref_slice %arg3[%add3A_59, %dma_start3A_90] : memref<2048x1024xf32, #tpu.memory_space<hbm>> -> memref<32x1024xf32, #tpu.memory_space<hbm>>
      tpu.enqueue_dma source(%dma_start3A_91 : memref<32x1024xf32, #tpu.memory_space<hbm>>) target(%arg9 : memref<32x1024xf32, #tpu.memory_space<vmem>>) target_semaphore(%run_scoped3A : memref<!tpu.dma_semaphore, #tpu.memory_space<semaphore_mem>>)
      %dma_wait3A_92 = arith.constant 0 : i32
      %dma_wait3A_93 = tpu.memref_slice %arg3[%add3A_59, %dma_wait3A_92] : memref<2048x1024xf32, #tpu.memory_space<hbm>> -> memref<32x1024xf32, #tpu.memory_space<hbm>>
      %dma_wait3A_94 = arith.constant 0 : i32
      %dma_wait3A_95 = tpu.memref_slice %arg3[%add3A_59, %dma_wait3A_94] : memref<2048x1024xf32, #tpu.memory_space<hbm>> -> memref<32x1024xf32, #tpu.memory_space<hbm>>
      tpu.wait_dma2 semaphore(%run_scoped3A : memref<!tpu.dma_semaphore, #tpu.memory_space<semaphore_mem>>) src(%dma_wait3A_95 : memref<32x1024xf32, #tpu.memory_space<hbm>>) dst(%arg9 : memref<32x1024xf32, #tpu.memory_space<vmem>>)
      tpu.yield
    }) : () -> ()
    %dma_start3A_60 = arith.constant 0 : i32
    %dma_start3A_61 = arith.constant 0 : i32
    %dma_start3A_62 = tpu.memref_slice %arg2[%dma_start3A_60, %dma_start3A_61] : memref<8192x1024xf32, #tpu.memory_space<hbm>> -> memref<8192x1024xf32, #tpu.memory_space<hbm>>
    tpu.enqueue_indirect_dma source(%dma_start3A_62 : memref<8192x1024xf32, #tpu.memory_space<hbm>>) target(%arg9 : memref<32x1024xf32, #tpu.memory_space<vmem>>) offsets(%arg6 : memref<32xi32, #tpu.memory_space<vmem>>) semaphore(%arg12 : memref<!tpu.dma_semaphore, #tpu.memory_space<semaphore_mem>>) {add = true}
    %dma_wait3A = arith.constant 0 : i32
    %dma_wait3A_63 = arith.constant 0 : i32
    %dma_wait3A_64 = tpu.memref_slice %arg2[%dma_wait3A, %dma_wait3A_63] : memref<8192x1024xf32, #tpu.memory_space<hbm>> -> memref<8192x1024xf32, #tpu.memory_space<hbm>>
    tpu.wait_indirect_dma semaphore(%arg11 : memref<!tpu.dma_semaphore, #tpu.memory_space<semaphore_mem>>) src(%dma_wait3A_64 : memref<8192x1024xf32, #tpu.memory_space<hbm>>) dst(%arg8 : memref<32x1024xf32, #tpu.memory_space<vmem>>)
    %add3A_65 = arith.constant 0 : i32
    %add3A_66 = arith.addi %mul3A_2, %add3A_65 : i32
    %dma_start3A_67 = arith.constant 0 : i32
    %dma_start3A_68 = tpu.memref_slice %arg4[%add3A_66, %dma_start3A_67] : memref<2048x1024xf32, #tpu.memory_space<hbm>> -> memref<32x1024xf32, #tpu.memory_space<hbm>>
    %dma_start3A_69 = arith.constant 0 : i32
    %dma_start3A_70 = tpu.memref_slice %arg4[%add3A_66, %dma_start3A_69] : memref<2048x1024xf32, #tpu.memory_space<hbm>> -> memref<32x1024xf32, #tpu.memory_space<hbm>>
    tpu.enqueue_dma source(%arg8 : memref<32x1024xf32, #tpu.memory_space<vmem>>) target(%dma_start3A_70 : memref<32x1024xf32, #tpu.memory_space<hbm>>) target_semaphore(%arg14 : memref<!tpu.dma_semaphore, #tpu.memory_space<semaphore_mem>>)
    %dma_wait3A_71 = arith.constant 0 : i32
    %dma_wait3A_72 = arith.constant 0 : i32
    %dma_wait3A_73 = tpu.memref_slice %arg2[%dma_wait3A_71, %dma_wait3A_72] : memref<8192x1024xf32, #tpu.memory_space<hbm>> -> memref<8192x1024xf32, #tpu.memory_space<hbm>>
    tpu.wait_indirect_dma semaphore(%arg12 : memref<!tpu.dma_semaphore, #tpu.memory_space<semaphore_mem>>) src(%dma_wait3A_73 : memref<8192x1024xf32, #tpu.memory_space<hbm>>) dst(%arg9 : memref<32x1024xf32, #tpu.memory_space<vmem>>)
    %add3A_74 = arith.constant 32 : i32
    %add3A_75 = arith.addi %mul3A_2, %add3A_74 : i32
    %dma_start3A_76 = arith.constant 0 : i32
    %dma_start3A_77 = tpu.memref_slice %arg4[%add3A_75, %dma_start3A_76] : memref<2048x1024xf32, #tpu.memory_space<hbm>> -> memref<32x1024xf32, #tpu.memory_space<hbm>>
    %dma_start3A_78 = arith.constant 0 : i32
    %dma_start3A_79 = tpu.memref_slice %arg4[%add3A_75, %dma_start3A_78] : memref<2048x1024xf32, #tpu.memory_space<hbm>> -> memref<32x1024xf32, #tpu.memory_space<hbm>>
    tpu.enqueue_dma source(%arg9 : memref<32x1024xf32, #tpu.memory_space<vmem>>) target(%dma_start3A_79 : memref<32x1024xf32, #tpu.memory_space<hbm>>) target_semaphore(%arg15 : memref<!tpu.dma_semaphore, #tpu.memory_space<semaphore_mem>>)
    %dma_wait3A_80 = arith.constant 0 : i32
    %dma_wait3A_81 = tpu.memref_slice %arg4[%add3A_66, %dma_wait3A_80] : memref<2048x1024xf32, #tpu.memory_space<hbm>> -> memref<32x1024xf32, #tpu.memory_space<hbm>>
    %dma_wait3A_82 = arith.constant 0 : i32
    %dma_wait3A_83 = tpu.memref_slice %arg4[%add3A_66, %dma_wait3A_82] : memref<2048x1024xf32, #tpu.memory_space<hbm>> -> memref<32x1024xf32, #tpu.memory_space<hbm>>
    tpu.wait_dma2 semaphore(%arg14 : memref<!tpu.dma_semaphore, #tpu.memory_space<semaphore_mem>>) src(%arg8 : memref<32x1024xf32, #tpu.memory_space<vmem>>) dst(%dma_wait3A_83 : memref<32x1024xf32, #tpu.memory_space<hbm>>)
    %dma_wait3A_84 = arith.constant 0 : i32
    %dma_wait3A_85 = tpu.memref_slice %arg4[%add3A_75, %dma_wait3A_84] : memref<2048x1024xf32, #tpu.memory_space<hbm>> -> memref<32x1024xf32, #tpu.memory_space<hbm>>
    %dma_wait3A_86 = arith.constant 0 : i32
    %dma_wait3A_87 = tpu.memref_slice %arg4[%add3A_75, %dma_wait3A_86] : memref<2048x1024xf32, #tpu.memory_space<hbm>> -> memref<32x1024xf32, #tpu.memory_space<hbm>>
    tpu.wait_dma2 semaphore(%arg15 : memref<!tpu.dma_semaphore, #tpu.memory_space<semaphore_mem>>) src(%arg9 : memref<32x1024xf32, #tpu.memory_space<vmem>>) dst(%dma_wait3A_87 : memref<32x1024xf32, #tpu.memory_space<hbm>>)
    return
  }
}

module attributes {stable_mosaic.version = 14 : i64} {
  func.func @_tc_add(%arg0: i32, %arg1: memref<2048x1024xf32, #tpu.memory_space<vmem>>, %arg2: memref<2048x1024xf32, #tpu.memory_space<vmem>>, %arg3: memref<2048x1024xf32, #tpu.memory_space<vmem>>) attributes {dimension_semantics = [#tpu.dimension_semantics<arbitrary>], iteration_bounds = array<i64: 3>, scalar_prefetch = 0 : i64, scratch_operands = 0 : i64, tpu.core_type = #tpu.core_type<tc>, window_params = [{transform_indices = @transform_0, window_bounds = array<i64: 2048, 1024>}, {pipeline_mode = #tpu.pipeline_mode<synchronous>, transform_indices = @transform_1, window_bounds = array<i64: 2048, 1024>}, {transform_indices = @transform_2, window_bounds = array<i64: 2048, 1024>}]} {
    %get3A = arith.constant 0 : index
    %get3A_0 = arith.constant 0 : index
    %get3A_1 = vector.load %arg1[%get3A, %get3A_0] : memref<2048x1024xf32, #tpu.memory_space<vmem>>, vector<2048x1024xf32>
    %get3A_2 = arith.constant 0 : index
    %get3A_3 = arith.constant 0 : index
    %get3A_4 = vector.load %arg2[%get3A_2, %get3A_3] : memref<2048x1024xf32, #tpu.memory_space<vmem>>, vector<2048x1024xf32>
    %add3A = arith.addf %get3A_1, %get3A_4 : vector<2048x1024xf32>
    %swap3A = arith.constant 0 : index
    %swap3A_5 = arith.constant 0 : index
    %swap3A_6 = vector.load %arg3[%swap3A, %swap3A_5] : memref<2048x1024xf32, #tpu.memory_space<vmem>>, vector<2048x1024xf32>
    tpu.vector_store %arg3[%swap3A, %swap3A_5], %add3A {strides = array<i32>} : memref<2048x1024xf32, #tpu.memory_space<vmem>>, vector<2048x1024xf32>,
    return
  }
  func.func @transform_0(%arg0: i32) -> (i32, i32) {
    %c0_i32 = arith.constant 0 : i32
    %c0_i32_0 = arith.constant 0 : i32
    return %arg0, %c0_i32 : i32, i32
  }
  func.func @transform_1(%arg0: i32) -> (i32, i32) {
    %c0_i32 = arith.constant 0 : i32
    %c0_i32_0 = arith.constant 0 : i32
    %c0_i32_1 = arith.constant 0 : i32
    return %c0_i32, %c0_i32_0 : i32, i32
  }
  func.func @transform_2(%arg0: i32) -> (i32, i32) {
    %c0_i32 = arith.constant 0 : i32
    %c0_i32_0 = arith.constant 0 : i32
    return %arg0, %c0_i32 : i32, i32
  }
}

</mosaic_0001>

<sc_bundles>
// kernel: kernel.4.cloned.1.call-start
scs
__scs_entry_jumppad:
0x0: {  	(pc) =	sbr.rel $0x88, $3  }
0x1: {  	(tag) =	ssettag $0x0;
	lr =	simm.s32 $0x1  }
0x2: {  	[smem:$0x3F9F] =	sst lr;
	_ =	strace $0xD0000000  }
0x3: {  	_ = 	snop  }
0x4: {  	_ = 	snop  }
0x5: {  	_ = 	snop  }
0x6: {  	_ = 	snop  }
0x7: {  	_ = 	snop  }
__scs_overlays_trampoline_lowered:
0x8: {  	[smem:$0x3FAE] =	sst s0  }
0x9: {  	[smem:$0x3FAF] =	sst s1  }
0xa: {  	[smem:$0x3FB0] =	sst s2  }
0xb: {  	[smem:$0x3FB1] =	sst s3  }
0xc: {  	[smem:$0x3FB2] =	sst s4  }
0xd: {  	[smem:$0x3FB3] =	sst s5  }
0xe: {  	[smem:$0x3FB4] =	sst s6  }
0xf: {  	[smem:$0x3FB5] =	sst s7  }
0x10: {  	[smem:$0x3FB6] =	sst s8  }
0x11: {  	[smem:$0x3FB7] =	sst s9;
	s0 =	simm.s32 @!p0 $0x0  }
0x12: {  	s1 =	sld [smem:$0x3F9D];
	s0 =	simm.s32 @p0 $0x1  }
0x13: {  	[smem:$0x3FB8] =	sst s0;
	s0 =	simm.s32 @!p1 $0x0  }
0x14: {  	s2 =	sld [smem:$0x3F9C];
	s0 =	simm.s32 @p1 $0x1  }
0x15: {  	[smem:$0x3FB9] =	sst s0;
	s0 =	simm.s32 @!p2 $0x0  }
0x16: {  	s3 =	sld [smem:$0x3FDB];
	s0 =	simm.s32 @p2 $0x1  }
0x17: {  	s4 =	simm.s32 $0x1BF5;
	[smem:$0x3FBB] =	sst s0  }
0x18: {  	s0 =	sld [smem:$0x3F9E];
	_ =	swait.ge [sflag:s4], $0x0  }
0x19: {  	s7 =	sld [smem:$0x3F9F]  }
0x1a: {  	s8 =	sadd.s32 $0xFFFFE003, lr  }
0x1b: {  	s9 =	sadd.s32 $0xFFFFFEF7, lr;
	s5 =	simm.s32 $0xFFFFFFFF;
	p2 =	slt.u32 s8, $0xFFFFF086  }
0x1c: {  	p1 =	slt.u32 s9, $0xF7A;
	s5 =	simm.s32 @!p2 $0x0  }
0x1d: {  	s5 =	simm.s32 @p1 $0x1;
	p0 =	seq.s32 s7, s2  }
0x1e: {  	s7 =	smul.u32 @!p0 $0xF7A, s2;
	p2 =	seq.s32 @!p0 s5, $0x0  }
0x1f: {  	s9 =	smul.u32 $0xF7A, s1;
	s8 =	simm.s32 @!p0 $0x1BF5;
	p2 =	por !p2, p0  }
0x20: {  	[sflag:s8] =	ssyncset.s32 @!p0 $0xFFFFF086;
	s6 =	sadd.s32 @!p0 s3, s7;
	s7 =	simm.s32 @!p0 $0x108  }
0x21: {  	s3 =	sadd.s32 s3, s9;
	s6 =	sadd.s32 @!p0 $0x88, s6;
	s7 =	simm.s32 @p2 $0x1082  }
0x22: {  	[simem:s7], [sflag:s8] =	dma.local @!p0 [hbm:s6], $0xF7A  }
0x23: {  	s9 =	sor.u32 $0xD0000000, s2;
	s6 =	simm.s32 $0x108;
	_ =	swait.ge @!p0 [sflag:s8], $0x0  }
0x24: {  	s3 =	sadd.s32 $0x88, s3;
	s6 =	simm.s32 @!p1 $0x1082;
	[sflag:s4] =	ssyncset.s32 $0xFFFFF086  }
0x25: {  	[simem:s6], [sflag:s4] =	dma.local [hbm:s3], $0xF7A  }
0x26: {  	[smem:$0x3F9F] =	sst s1;
	(tag) =	ssettag s2;
	_ =	strace s9  }
0x27: {  	s1 =	sld [smem:$0x3FAF]  }
0x28: {  	s2 =	sld [smem:$0x3FB0]  }
0x29: {  	s4 =	sld [smem:$0x3FB2]  }
0x2a: {  	p0 =	seq.s32 s5, $0x0;
	s5 =	sld [smem:$0x3FB3]  }
0x2b: {  	s6 =	sld [smem:$0x3FB4]  }
0x2c: {  	s7 =	sld [smem:$0x3FB5]  }
0x2d: {  	s3 =	simm.s32 $0x108;
	s8 =	sld [smem:$0x3FB6]  }
0x2e: {  	s3 =	simm.s32 @!p0 $0x1082;
	s9 =	sld [smem:$0x3FB7]  }
0x2f: {  	lr =	sadd.s32 s0, s3;
	s0 =	sld [smem:$0x3FAE]  }
0x30: {  	s3 =	sld [smem:$0x3FB1]  }
0x31: {  	[smem:$0x3FBA] =	sst s10  }
0x32: {  	s10 =	sld [smem:$0x3FB8];
	_ =	sdelay $0x3  }
0x33: {  	p0 =	seq.s32 s10, $0x1;
	s10 =	sld [smem:$0x3FBA];
	_ =	sdelay $0x3  }
0x34: {  	[smem:$0x3FBA] =	sst s10  }
0x35: {  	s10 =	sld [smem:$0x3FB9];
	_ =	sdelay $0x3  }
0x36: {  	p1 =	seq.s32 s10, $0x1;
	s10 =	sld [smem:$0x3FBA];
	_ =	sdelay $0x3  }
0x37: {  	[smem:$0x3FBA] =	sst s10  }
0x38: {  	s10 =	sld [smem:$0x3FBB]  }
0x39: {  	_ = 	snop;
	(pc) =	sbr.ind lr, $3  }
0x3a: {  	_ = 	snop  }
0x3b: {  	_ = 	snop  }
0x3c: {  	p2 =	seq.s32 s10, $0x1;
	s10 =	sld [smem:$0x3FBA]  }
0x3d: {  	_ =	shalt  }
0x3e: {  	_ =	shalt  }
0x3f: {  	_ =	shalt  }
0x40: {  	_ =	shalt  }
0x41: {  	_ =	shalt  }
0x42: {  	_ =	shalt  }
0x43: {  	_ =	shalt  }
0x44: {  	_ =	shalt  }
0x45: {  	_ =	shalt  }
0x46: {  	_ =	shalt  }
0x47: {  	_ =	shalt  }
0x48: {  	_ =	shalt  }
0x49: {  	_ =	shalt  }
0x4a: {  	_ =	shalt  }
0x4b: {  	_ =	shalt  }
0x4c: {  	_ =	shalt  }
0x4d: {  	_ =	shalt  }
0x4e: {  	_ =	shalt  }
0x4f: {  	_ =	shalt  }
0x50: {  	_ =	shalt  }
0x51: {  	_ =	shalt  }
0x52: {  	_ =	shalt  }
0x53: {  	_ =	shalt  }
0x54: {  	_ =	shalt  }
0x55: {  	_ =	shalt  }
0x56: {  	_ =	shalt  }
0x57: {  	_ =	shalt  }
0x58: {  	_ =	shalt  }
0x59: {  	_ =	shalt  }
0x5a: {  	_ =	shalt  }
0x5b: {  	_ =	shalt  }
0x5c: {  	_ =	shalt  }
0x5d: {  	_ =	shalt  }
0x5e: {  	_ =	shalt  }
0x5f: {  	_ =	shalt  }
0x60: {  	_ =	shalt  }
0x61: {  	_ =	shalt  }
0x62: {  	_ =	shalt  }
0x63: {  	_ =	shalt  }
0x64: {  	_ =	shalt  }
0x65: {  	_ =	shalt  }
0x66: {  	_ =	shalt  }
0x67: {  	_ =	shalt  }
0x68: {  	_ =	shalt  }
0x69: {  	_ =	shalt  }
0x6a: {  	_ =	shalt  }
0x6b: {  	_ =	shalt  }
0x6c: {  	_ =	shalt  }
0x6d: {  	_ =	shalt  }
0x6e: {  	_ =	shalt  }
0x6f: {  	_ =	shalt  }
0x70: {  	_ =	shalt  }
0x71: {  	_ =	shalt  }
0x72: {  	_ =	shalt  }
0x73: {  	_ =	shalt  }
0x74: {  	_ =	shalt  }
0x75: {  	_ =	shalt  }
0x76: {  	_ =	shalt  }
0x77: {  	_ =	shalt  }
0x78: {  	_ =	shalt  }
0x79: {  	_ =	shalt  }
0x7a: {  	_ =	shalt  }
0x7b: {  	_ =	shalt  }
0x7c: {  	_ =	shalt  }
0x7d: {  	_ =	shalt  }
0x7e: {  	_ =	shalt  }
0x7f: {  	_ =	shalt  }
0x80: {  	_ =	shalt  }
0x81: {  	_ =	shalt  }
0x82: {  	_ =	shalt  }
0x83: {  	_ =	shalt  }
0x84: {  	_ =	shalt  }
0x85: {  	_ =	shalt  }
0x86: {  	_ =	shalt  }
0x87: {  	_ =	shalt  }
.Lfunc_end0:
.L_simem_size_0:
called_computation_lowered:
.L_overlay_start_0:
0x88: {  	s2 =	sld [smem:$0x3FD9]  }
0x89: {  	s3 =	sld [smem:$0x3FFE];
	_ =	sdelay $0x1  }
0x8a: {  	s1 =	srdreg.scid  }
0x8b: {  	s0 =	sand.u32 $0x1, s1  }
0x8c: {  	s17 =	sshll.u32 s0, $0xA;
	s2 =	sadd.s32 s3, s2  }
0x8d: {  	s2 =	sadd.s32 s2, s17  }
0x8e: {  	[smem:$0x3FC6] =	sst s2  }
0x8f: {  	_ = 	snop  }
0x90: {  	s2 =	sld [smem:$0x3FC9]  }
0x91: {  	s18 =	sld [smem:$0x3FC8];
	(tm) =	ssettm $0x1  }
0x92: {  	s4 =	sld [smem:$0x3FFB];
	_ =	sdelay $0x3  }
0x93: {  	_ =	strace s4  }
0x94: {  	s4 =	sld [smem:$0x3FFC];
	_ =	sdelay $0x3  }
0x95: {  	_ =	strace s4  }
0x96: {  	s4 =	sld [smem:$0x3FFD];
	_ =	sdelay $0x3  }
0x97: {  	_ =	strace s4  }
0x98: {  	_ =	strace $0x8FFFFFFF  }
0x99: {  	s19 =	sld [smem:$0x3FDB];
	_ =	sdelay $0x1  }
0x9a: {  	s5 =	simm.s32 $_scs_section_size  }
0x9b: {  	s6 =	simm.s32 $_size__tile_overlayer_lowered;
	s7 =	simm.s32 $_tile_overlayer_lowered  }
0x9c: {  	s22 =	simm.s32 $0x1BFF;
	s21 =	sshll.u32 s7, $0x1;
	s4 =	sadd.s32 s5, s19  }
0x9d: {  	s8 =	simm.s32 $0x0;
	s20 =	sshll.u32 s6, $0x1;
	s6 =	sadd.s32 s21, s4  }
0x9e: {  	[timem:s8], [sflag:s22] =	dma.local [hbm:s6], s20  }
0x9f: {  	_ =	swait.ge [sflag:s22], s20  }
0xa0: {  	s5 =	ssub.s32 $0x0, s20;
	[sflag:s22] =	ssyncset.done $0x0  }
0xa1: {  	[sflag:s22] =	ssyncadd.s32 s5;
	_ =	sdelay $0x1  }
0xa2: {  	s23 =	simm.s32 $0x1B8B  }
0xa3: {  	_ =	swait.ge [sflag:s23], $0x1  }
0xa4: {  	[sflag:s23] =	ssyncset.done $0x0  }
0xa5: {  	s25 =	simm.s32 $0x1B8E;
	s24 =	sld [smem:$0x3FFE];
	[sflag:s23] =	ssyncadd.s32 $0xFFFFFFFF  }
0xa6: {  	s26 =	simm.s32 $execute0_lowered;
	[smem:$0x3FD2] =	sst s25  }
0xa7: {  	s6 =	sshll.u32 s26, $0x1;
	_ =	strace $0x80000046;
	[dreg:$0x1] =	wrdreg $0xFFFFFFFF  }
0xa8: {  	s28 =	simm.s32 $_size_execute0_lowered;
	s4 =	sadd.s32 s4, s6;
	[dreg:$0x0] =	wrdreg $0x0  }
0xa9: {  	s6 =	sshll.u32 s28, $0x1;
	[dreg:$0x2] =	wrdreg s4  }
0xaa: {  	[dreg:$0x3] =	wrdreg s6  }
0xab: {  	[dreg:$0x4] =	wrdreg $0xC0  }
0xac: {  	_ =	task [dreg:s8], $0x5FFFF  }
0xad: {  	[dreg:$0x1] =	wrdreg $0xFFFFFFFF  }
0xae: {  	[dreg:$0x0] =	wrdreg $0x60  }
0xaf: {  	[dreg:$0x2] =	wrdreg s2  }
0xb0: {  	[dreg:$0x3] =	wrdreg s18  }
0xb1: {  	[dreg:$0x4] =	wrdreg s24  }
0xb2: {  	[dreg:$0x5] =	wrdreg $0x9  }
0xb3: {  	_ =	task.clear_ibuf [dreg:s8], $0x6FFFF;
	_ =	strace $0x90000046  }
0xb4: {  	s29 =	simm.s32 $0x9;
	_ =	strace $0x80000048  }
0xb5: {  	_ =	swait.ge [sflag:s29], $0x1  }
0xb6: {  	[sflag:s29] =	ssyncadd.s32 $0xFFFFFFFF  }
0xb7: {  	_ =	strace $0x90000048  }
0xb8: {  	_ =	sfence  }
0xb9: {  	s30 =	sld [smem:$0x0];
	_ =	sdelay $0x2  }
0xba: {  	s31 =	sshll.u32 s1, $0xD;
	s1 =	sshrl.u32 s1, $0x2  }
0xbb: {  	s3 =	sand.u32 $0x4000, s31;
	s1 =	sadd.s32 s1, s30  }
0xbc: {  	s0 =	sor.u32 s3, s0;
	s1 =	sshll.u32 s1, $0x11  }
0xbd: {  	s0 =	sor.u32 s1, s0  }
0xbe: {  	s0 =	sadd.s32 $0x8F2B, s0  }
0xbf: {  	[sflag:s0] =	ssyncadd.remote.s32 $0x1  }
0xc0: {  	_ =	sfence.sel $0xFFFF  }
0xc1: {  	[dreg:$0x0] =	wrdreg $0xFFFFFFFF;
	(pc) =	sbr.abs _section_cstart, $3  }
0xc2: {  	[dreg:$0x1] =	wrdreg $0xFFFFFFFF  }
0xc3: {  	_ =	task.clear_ibuf [dreg:s8], $0x2FFFF;
	_ =	strace $0x9FFFFFFF  }
0xc4: {  	(tm) =	ssettm $0x7FFFFFFF  }
0xc5: {  	_ =	shalt  }
tec
execute0_lowered:
.L_overlay_start_1:
0x0: {  	(tag) =	ssettag $0x1  }
0x1: {  	s2 =	srdreg.scid;
	s1 =	rddreg [dreg:$0x0]  }
0x2: {  	s0 =	stileid.u32;
	s4 =	rddreg [dreg:$0x1]  }
0x3: {  	s6 =	rddreg [dreg:$0x2];
	s10 =	simm.s32 $0x900;
	s11 =	simm.s32 $0x1100  }
0x4: {  	s12 =	simm.s32 $0x1900;
	s13 =	simm.s32 $0x2100;
	s2 =	sand.u32 $0x1, s2  }
0x5: {  	s15 =	simm.s32 $0x2900;
	s3 =	sshll.u32 s0, $0x7;
	s5 =	sshll.u32 s2, $0x6  }
0x6: {  	s16 =	simm.s32 $0x3100;
	s8 =	sor.u32 s5, s3;
	s3 =	simm.s32 $0x0  }
0x7: {  	s17 =	simm.s32 $0x3900;
	s18 =	simm.s32 $0x4100;
	[smem:$0x7FF] =	sst s3  }
0x8: {  	s19 =	simm.s32 $0x5900;
	_ =	strace $0x80000047;
	[dreg:$0x7] =	wrdreg s10  }
0x9: {  	s20 =	simm.s32 $0x6100;
	s21 =	simm.s32 $0x6900;
	[dreg:$0x8] =	wrdreg s11  }
0xa: {  	s22 =	simm.s32 $0x7100;
	s28 =	simm.s32 $0xF900;
	[dreg:$0x9] =	wrdreg s12  }
0xb: {  	s29 =	simm.s32 $0x1;
	s30 =	simm.s32 $0x2;
	[dreg:$0xa] =	wrdreg s13  }
0xc: {  	s31 =	simm.s32 $0x3;
	s2 =	ssub.s32 $0x2, s2;
	[dreg:$0xb] =	wrdreg s15  }
0xd: {  	s14 =	sshrl.u32 s2, $0x1;
	s5 =	sshll.u32 s8, $0x7;
	[dreg:$0xc] =	wrdreg s16  }
0xe: {  	s2 =	ssub.s32 s2, s14;
	s23 =	sor.u32 $0x1800, s8;
	[dreg:$0xd] =	wrdreg s17  }
0xf: {  	s24 =	sor.u32 $0x1810, s8;
	s25 =	sor.u32 $0x1820, s8;
	[dreg:$0xe] =	wrdreg s18  }
0x10: {  	s26 =	sor.u32 $0x1830, s8;
	s14 =	simm.s32 $0x9100;
	[dreg:$0x11] =	wrdreg s19  }
0x11: {  	s4 =	sadd.s32 s4, s5;
	s5 =	sadd.s32 s5, s6;
	[dreg:$0x12] =	wrdreg s20  }
0x12: {  	s6 =	sadd.s32 $0x200, s1;
	s8 =	smax.u32 s2, $0x1;
	[dreg:$0x13] =	wrdreg s21  }
0x13: {  	s10 =	simm.s32 $0x5;
	[dreg:$0x14] =	wrdreg s22;
	s12 =	simm.s32 $0x8100  }
0x14: {  	s13 =	simm.s32 $0x8900;
	s15 =	simm.s32 $0x9900;
	s16 =	simm.s32 $0xA100  }
0x15: {  	s17 =	simm.s32 $0xA900;
	s18 =	simm.s32 $0xB100;
	s19 =	simm.s32 $0xB900  }
0x16: {  	v6 =	vlaneseq.u32;
	s20 =	simm.s32 $0xC100;
	s21 =	simm.s32 $0xC900;
	s22 =	simm.s32 $0xD100  }
0x17: {  	v0 =	vor.u32 s23, v6;
	v1 =	vor.u32 s24, v6;
	s23 =	simm.s32 $0xD900;
	s24 =	simm.s32 $0xE100;
	s7 =	sadd.s32 $0x1000, s4  }
0x18: {  	v2 =	vor.u32 s25, v6;
	s25 =	simm.s32 $0xE900;
	s9 =	sadd.s32 $0x600, s5;
	[dreg:$0x4] =	wrdreg s7  }
0x19: {  	v3 =	vor.u32 s26, v6;
	s26 =	simm.s32 $0xF100;
	s5 =	sadd.s32 $0x1600, s5;
	[dreg:$0x5] =	wrdreg s9  }
0x1a: {  	s2 =	simm.s32 $0x4;
	[dreg:$0x6] =	wrdreg s5;
	s7 =	simm.s32 $0x4900  }
0x1b: {  	vm0 =	vmmov $0xffff;
	v5 =	vshrl.u32 v6, $0x3;
	s5 =	sadd.s32 $0x100, s1;
	s9 =	simm.s32 $0x5100;
	[dreg:$0xf] =	wrdreg s7  }
0x1c: {  	v4 =	vand.u32 $0x7, v6;
	v5 =	vmul.u32 $0x8, v5;
	v6 =	vor.u32 $0x8, v6;
	s7 =	sadd.s32 $0x300, s1;
	[dreg:$0x10] =	wrdreg s9;
	s9 =	simm.s32 $0x100  }
.LBB2_1:
0x1d: {  	[tilespmem:$0x0] =	vst v0  }
0x1e: {  	[tilespmem:$0x10] =	vst v1  }
0x1f: {  	[tilespmem:s9], [sflag:$0x5] =	stream.linear.gather [hbm4b:s4+s3], $0x8000, $0x38;
	[tilespmem:$0x10100] =	vst v63  }
0x20: {  	_ =	swait.ge [sflag:s10], $0x8000  }
0x21: {  	[sflag:s10] =	ssyncset.done $0x0  }
0x22: {  	[sflag:s10] =	ssyncadd.s32 $0xFFFF8000  }
0x23: {  	v7 =	vld [tilespmem:$0x0];
	_ =	sdelay $0x4  }
0x24: {  	v8 =	vshll.u32 v7, $0x3  }
0x25: {  	v7 =	vand.u32 $0x7, v7;
	v8 =	vand.u32 $0xFFFFFFC0, v8  }
0x26: {  	v7 =	vor.u32 v7, v8  }
0x27: {  	v8 =	vperm.xlane v7, v4;
	_ =	sdelay $0x1  }
0x28: {  	v8 =	vadd.s32 v5, v8;
	_ =	sdelay $0x4  }
0x29: {  	[tilespmem:s9], [sflag:$0x1] =	stream.indirect_vreg.gather [hbm4b:s1+s3], $0x80, v8, vm0, $0xb8;
	[tilespmem:$0x10100] =	vst v63  }
0x2a: {  	s0 =	rddreg [dreg:$0x7];
	v7 =	vperm.xlane v7, v6  }
0x2b: {  	[tilespmem:s0], [sflag:$0x1] =	stream.indirect_vreg.gather [hbm4b:s5+s3], $0x80, v8, vm0, $0xb8;
	[tilespmem:$0x10100] =	vst v63  }
0x2c: {  	s11 =	rddreg [dreg:$0x8];
	v7 =	vadd.s32 v5, v7  }
0x2d: {  	[tilespmem:s11], [sflag:$0x1] =	stream.indirect_vreg.gather [hbm4b:s6+s3], $0x80, v8, vm0, $0xb8;
	[tilespmem:$0x10100] =	vst v63  }
0x2e: {  	s0 =	rddreg [dreg:$0x9]  }
0x2f: {  	[tilespmem:s0], [sflag:$0x1] =	stream.indirect_vreg.gather [hbm4b:s7+s3], $0x80, v8, vm0, $0xb8;
	[tilespmem:$0x10100] =	vst v63  }
0x30: {  	s11 =	rddreg [dreg:$0xa]  }
0x31: {  	[tilespmem:s11], [sflag:$0x1] =	stream.indirect_vreg.gather [hbm4b:s1+s3], $0x80, v7, vm0, $0xb8;
	[tilespmem:$0x10100] =	vst v63  }
0x32: {  	s0 =	rddreg [dreg:$0xb]  }
0x33: {  	[tilespmem:s0], [sflag:$0x1] =	stream.indirect_vreg.gather [hbm4b:s5+s3], $0x80, v7, vm0, $0xb8;
	[tilespmem:$0x10100] =	vst v63  }
0x34: {  	s11 =	rddreg [dreg:$0xc]  }
0x35: {  	[tilespmem:s11], [sflag:$0x1] =	stream.indirect_vreg.gather [hbm4b:s6+s3], $0x80, v7, vm0, $0xb8;
	[tilespmem:$0x10100] =	vst v63  }
0x36: {  	s0 =	rddreg [dreg:$0xd]  }
0x37: {  	[tilespmem:s0], [sflag:$0x1] =	stream.indirect_vreg.gather [hbm4b:s7+s3], $0x80, v7, vm0, $0xb8;
	[tilespmem:$0x10100] =	vst v63  }
0x38: {  	v7 =	vld [tilespmem:$0x10];
	_ =	sdelay $0x4  }
0x39: {  	v8 =	vshll.u32 v7, $0x3  }
0x3a: {  	v7 =	vand.u32 $0x7, v7;
	v8 =	vand.u32 $0xFFFFFFC0, v8  }
0x3b: {  	v7 =	vor.u32 v7, v8  }
0x3c: {  	v8 =	vperm.xlane v7, v4;
	_ =	sdelay $0x1  }
0x3d: {  	v8 =	vadd.s32 v5, v8;
	_ =	sdelay $0x3  }
0x3e: {  	s0 =	rddreg [dreg:$0xe]  }
0x3f: {  	[tilespmem:s0], [sflag:$0x1] =	stream.indirect_vreg.gather [hbm4b:s1+s3], $0x80, v8, vm0, $0xb8;
	[tilespmem:$0x10100] =	vst v63  }
0x40: {  	s11 =	rddreg [dreg:$0xf];
	v7 =	vperm.xlane v7, v6  }
0x41: {  	[tilespmem:s11], [sflag:$0x1] =	stream.indirect_vreg.gather [hbm4b:s5+s3], $0x80, v8, vm0, $0xb8;
	[tilespmem:$0x10100] =	vst v63  }
0x42: {  	v7 =	vadd.s32 v5, v7;
	s0 =	rddreg [dreg:$0x10]  }
0x43: {  	[tilespmem:s0], [sflag:$0x1] =	stream.indirect_vreg.gather [hbm4b:s6+s3], $0x80, v8, vm0, $0xb8;
	[tilespmem:$0x10100] =	vst v63  }
0x44: {  	s11 =	rddreg [dreg:$0x11]  }
0x45: {  	[tilespmem:s11], [sflag:$0x1] =	stream.indirect_vreg.gather [hbm4b:s7+s3], $0x80, v8, vm0, $0xb8;
	[tilespmem:$0x10100] =	vst v63  }
0x46: {  	s0 =	rddreg [dreg:$0x12]  }
0x47: {  	[tilespmem:s0], [sflag:$0x1] =	stream.indirect_vreg.gather [hbm4b:s1+s3], $0x80, v7, vm0, $0xb8;
	[tilespmem:$0x10100] =	vst v63  }
0x48: {  	s11 =	rddreg [dreg:$0x13]  }
0x49: {  	[tilespmem:s11], [sflag:$0x1] =	stream.indirect_vreg.gather [hbm4b:s5+s3], $0x80, v7, vm0, $0xb8;
	[tilespmem:$0x10100] =	vst v63  }
0x4a: {  	s0 =	rddreg [dreg:$0x14]  }
0x4b: {  	[tilespmem:s0], [sflag:$0x1] =	stream.indirect_vreg.gather [hbm4b:s6+s3], $0x80, v7, vm0, $0xb8;
	[tilespmem:$0x10100] =	vst v63  }
0x4c: {  	s11 =	simm.s32 $0x7900  }
0x4d: {  	[tilespmem:s11], [sflag:$0x1] =	stream.indirect_vreg.gather [hbm4b:s7+s3], $0x80, v7, vm0, $0xb8;
	[tilespmem:$0x10100] =	vst v63  }
0x4e: {  	[tilespmem:$0x80] =	vst v2  }
0x4f: {  	s11 =	rddreg [dreg:$0x4];
	[tilespmem:$0x90] =	vst v3  }
0x50: {  	[tilespmem:s12], [sflag:$0x5] =	stream.linear.gather [hbm4b:s11+s3], $0x8000, $0x38;
	[tilespmem:$0x10100] =	vst v63  }
0x51: {  	_ =	swait.ge [sflag:s10], $0x8000  }
0x52: {  	[sflag:s10] =	ssyncset.done $0x0  }
0x53: {  	[sflag:s10] =	ssyncadd.s32 $0xFFFF8000  }
0x54: {  	v7 =	vld [tilespmem:$0x80];
	_ =	sdelay $0x4  }
0x55: {  	v8 =	vshll.u32 v7, $0x3  }
0x56: {  	v7 =	vand.u32 $0x7, v7;
	v8 =	vand.u32 $0xFFFFFFC0, v8  }
0x57: {  	v7 =	vor.u32 v7, v8  }
0x58: {  	v8 =	vperm.xlane v7, v4;
	_ =	sdelay $0x1  }
0x59: {  	v8 =	vadd.s32 v5, v8;
	_ =	sdelay $0x4  }
0x5a: {  	[tilespmem:s12], [sflag:$0x2] =	stream.indirect_vreg.gather [hbm4b:s1+s3], $0x80, v8, vm0, $0xb8;
	[tilespmem:$0x10100] =	vst v63  }
0x5b: {  	v7 =	vperm.xlane v7, v6  }
0x5c: {  	[tilespmem:s13], [sflag:$0x2] =	stream.indirect_vreg.gather [hbm4b:s5+s3], $0x80, v8, vm0, $0xb8;
	[tilespmem:$0x10100] =	vst v63  }
0x5d: {  	v7 =	vadd.s32 v5, v7  }
0x5e: {  	[tilespmem:s14], [sflag:$0x2] =	stream.indirect_vreg.gather [hbm4b:s6+s3], $0x80, v8, vm0, $0xb8;
	[tilespmem:$0x10100] =	vst v63  }
0x5f: {  	_ = 	snop  }
0x60: {  	[tilespmem:s15], [sflag:$0x2] =	stream.indirect_vreg.gather [hbm4b:s7+s3], $0x80, v8, vm0, $0xb8;
	[tilespmem:$0x10100] =	vst v63  }
0x61: {  	_ = 	snop  }
0x62: {  	[tilespmem:s16], [sflag:$0x2] =	stream.indirect_vreg.gather [hbm4b:s1+s3], $0x80, v7, vm0, $0xb8;
	[tilespmem:$0x10100] =	vst v63  }
0x63: {  	_ = 	snop  }
0x64: {  	[tilespmem:s17], [sflag:$0x2] =	stream.indirect_vreg.gather [hbm4b:s5+s3], $0x80, v7, vm0, $0xb8;
	[tilespmem:$0x10100] =	vst v63  }
0x65: {  	_ = 	snop  }
0x66: {  	[tilespmem:s18], [sflag:$0x2] =	stream.indirect_vreg.gather [hbm4b:s6+s3], $0x80, v7, vm0, $0xb8;
	[tilespmem:$0x10100] =	vst v63  }
0x67: {  	_ = 	snop  }
0x68: {  	[tilespmem:s19], [sflag:$0x2] =	stream.indirect_vreg.gather [hbm4b:s7+s3], $0x80, v7, vm0, $0xb8;
	[tilespmem:$0x10100] =	vst v63  }
0x69: {  	v7 =	vld [tilespmem:$0x90];
	_ =	sdelay $0x4  }
0x6a: {  	v8 =	vshll.u32 v7, $0x3  }
0x6b: {  	v7 =	vand.u32 $0x7, v7;
	v8 =	vand.u32 $0xFFFFFFC0, v8  }
0x6c: {  	v7 =	vor.u32 v7, v8  }
0x6d: {  	v8 =	vperm.xlane v7, v4;
	_ =	sdelay $0x1  }
0x6e: {  	v8 =	vadd.s32 v5, v8;
	_ =	sdelay $0x4  }
0x6f: {  	[tilespmem:s20], [sflag:$0x2] =	stream.indirect_vreg.gather [hbm4b:s1+s3], $0x80, v8, vm0, $0xb8;
	[tilespmem:$0x10100] =	vst v63  }
0x70: {  	v7 =	vperm.xlane v7, v6  }
0x71: {  	[tilespmem:s21], [sflag:$0x2] =	stream.indirect_vreg.gather [hbm4b:s5+s3], $0x80, v8, vm0, $0xb8;
	[tilespmem:$0x10100] =	vst v63  }
0x72: {  	v7 =	vadd.s32 v5, v7  }
0x73: {  	[tilespmem:s22], [sflag:$0x2] =	stream.indirect_vreg.gather [hbm4b:s6+s3], $0x80, v8, vm0, $0xb8;
	[tilespmem:$0x10100] =	vst v63  }
0x74: {  	_ = 	snop  }
0x75: {  	[tilespmem:s23], [sflag:$0x2] =	stream.indirect_vreg.gather [hbm4b:s7+s3], $0x80, v8, vm0, $0xb8;
	[tilespmem:$0x10100] =	vst v63  }
0x76: {  	_ = 	snop  }
0x77: {  	[tilespmem:s24], [sflag:$0x2] =	stream.indirect_vreg.gather [hbm4b:s1+s3], $0x80, v7, vm0, $0xb8;
	[tilespmem:$0x10100] =	vst v63  }
0x78: {  	_ = 	snop  }
0x79: {  	[tilespmem:s25], [sflag:$0x2] =	stream.indirect_vreg.gather [hbm4b:s5+s3], $0x80, v7, vm0, $0xb8;
	[tilespmem:$0x10100] =	vst v63  }
0x7a: {  	_ = 	snop  }
0x7b: {  	[tilespmem:s26], [sflag:$0x2] =	stream.indirect_vreg.gather [hbm4b:s6+s3], $0x80, v7, vm0, $0xb8;
	[tilespmem:$0x10100] =	vst v63  }
0x7c: {  	_ = 	snop  }
0x7d: {  	[tilespmem:s28], [sflag:$0x2] =	stream.indirect_vreg.gather [hbm4b:s7+s3], $0x80, v7, vm0, $0xb8;
	[tilespmem:$0x10100] =	vst v63  }
0x7e: {  	_ =	swait.ge [sflag:s29], $0x8000  }
0x7f: {  	[sflag:s29] =	ssyncset.done $0x0  }
0x80: {  	s11 =	rddreg [dreg:$0x5];
	[sflag:s29] =	ssyncadd.s32 $0xFFFF8000  }
0x81: {  	[hbm4b:s11+s3] =	stream.linear.scatter [tilespmem:s9], [sflag:$0x3], $0x8000, $0x38;
	[tilespmem:$0x10100] =	vst v63  }
0x82: {  	_ =	swait.ge [sflag:s30], $0x8000  }
0x83: {  	[sflag:s30] =	ssyncset.done $0x0  }
0x84: {  	s11 =	rddreg [dreg:$0x6];
	[sflag:s30] =	ssyncadd.s32 $0xFFFF8000  }
0x85: {  	[hbm4b:s11+s3] =	stream.linear.scatter [tilespmem:s12], [sflag:$0x4], $0x8000, $0x38;
	[tilespmem:$0x10100] =	vst v63  }
0x86: {  	p0 =	sne.s32 s8, $0x1;
	_ =	swait.ge [sflag:s31], $0x8000  }
.Ltmp0:
0x87: {  	[sflag:s31] =	ssyncset.done $0x0;
	(pc) =	sbr.rel @p0 .LBB2_1-.Ltmp0, $4  }
0x88: {  	[sflag:s31] =	ssyncadd.s32 $0xFFFF8000  }
0x89: {  	_ =	swait.ge [sflag:s2], $0x8000  }
0x8a: {  	[sflag:s2] =	ssyncset.done $0x0  }
0x8b: {  	s8 =	sadd.s32 $0xFFFFFFFF, s8;
	[sflag:s2] =	ssyncadd.s32 $0xFFFF8000  }
0x8c: {  	_ =	sfence.sel $0x180000  }
0x8d: {  	[bflag:$0x0] =	sbarrier.arrive $0xFFFF  }
0x8e: {  	_ =	strace $0x90000047  }
0x8f: {  	s0 =	stileid.u32;
	[bflag:$0x2] =	sbarrier.arrive $0xFFFF  }
0x90: {  	p0 =	sne.s32 s0, $0x0;
	s0 =	rddreg [dreg:$0x3]  }
0x91: {  	s0 =	sadd.s32 @!p0 $0x100000, s0  }
0x92: {  	[sflag:s0] =	ssyncadd.tile.s32 @!p0 $0x1;
	_ =	shalt  }
.Lfunc_end2:
_tile_overlayer_lowered:
.L_overlay_start_2:
0x93: {  	(tag) =	ssettag $0x2  }
0x94: {  	s0 =	rddreg [dreg:$0x0];
	s2 =	stileid.u32  }
0x95: {  	s1 =	rddreg [dreg:$0x1];
	p0 =	sne.s32 s2, $0x0  }
0x96: {  	s3 =	rddreg [dreg:$0x2];
	[bflag:$0x3] =	sbarrier.arrive $0xFFFF;
	s2 =	simm.s32 @!p0 $0x1C05  }
0x97: {  	[timem:s3], [sflag:s2] =	dma.local @!p0 [hbm:s0], s1  }
0x98: {  	s0 =	simm.s32 @!p0 $0x5  }
0x99: {  	_ =	swait.ge @!p0 [sflag:s0], s1  }
0x9a: {  	s1 =	ssub.s32 @!p0 $0x0, s1;
	[sflag:s0] =	ssyncset.done @!p0 $0x0  }
0x9b: {  	[sflag:s0] =	ssyncadd.s32 @!p0 s1  }
0x9c: {  	[bflag:$0x3] =	sbarrier.arrive $0xFFFF  }
0x9d: {  	_ =	shalt  }

</sc_bundles>
